<compile_context>
chip_gen: v7x
topology: tpu7x:2x2x1
jax: 0.10.2.dev20260603
libtpu: 0.0.44.dev20260713+nightly
codegen_flags: <defaults>
</compile_context>

<pallas_src>
import functools

import jax
import jax.numpy as jnp
from jax import lax
from jax.experimental import pallas as pl
from jax.experimental.pallas import tpu as pltpu
from jax.experimental.pallas import tpu_sc as plsc

N = 16384
E = 64
K = 2
NS = 16
LANES = 16
SEL_PER_TILE = (N * K) // NS
SCALE = float(E) / (float(N) * K * N)
ECH = E // LANES
BR = 8192
SUB = 8


def _colsum_tc_body(probs_ref, out_ref):
    i = pl.program_id(0)

    @pl.when(i == 0)
    def _init():
        out_ref[...] = jnp.zeros_like(out_ref)

    blk = probs_ref[...].reshape(BR // SUB, SUB, E)
    out_ref[...] += jnp.sum(blk, axis=0)


_colsum_tc = pl.pallas_call(
    _colsum_tc_body,
    grid=(N // BR,),
    in_specs=[pl.BlockSpec((BR, E), lambda i: (i, 0))],
    out_specs=pl.BlockSpec((SUB, E), lambda i: (0, 0)),
    out_shape=jax.ShapeDtypeStruct((SUB, E), jnp.float32),
)


_mesh = plsc.VectorSubcoreMesh(
    core_axis_name="c", subcore_axis_name="s", num_cores=1, num_subcores=NS
)


@functools.partial(
    pl.kernel,
    out_type=jax.ShapeDtypeStruct((LANES,), jnp.float32),
    mesh=_mesh,
    compiler_params=pltpu.CompilerParams(needs_layout_passes=False),
    scratch_types=[
        pltpu.VMEM((SUB * E,), jnp.float32),
        pltpu.VMEM((SEL_PER_TILE,), jnp.int32),
        pltpu.VMEM((E,), jnp.float32),
        pltpu.VMEM((LANES,), jnp.float32),
        pltpu.VMEM((NS * LANES,), jnp.float32),
        pltpu.VMEM_SHARED((NS * LANES,), jnp.float32),
    ],
)
def _lb_gather_kernel(colsum8_hbm, sel0_hbm, sel1_hbm, out_hbm,
                      col8_v, sel_v, col_v, vec_v, accall_v, shared_acc):
    s = lax.axis_index("s")
    half = SEL_PER_TILE // 2

    pltpu.sync_copy(colsum8_hbm, col8_v)
    pltpu.sync_copy(sel0_hbm.at[pl.ds(s * half, half)],
                    sel_v.at[pl.ds(0, half)])
    pltpu.sync_copy(sel1_hbm.at[pl.ds(s * half, half)],
                    sel_v.at[pl.ds(half, half)])

    for j in range(ECH):
        cj = col8_v[pl.ds(j * LANES, LANES)]
        for r in range(1, SUB):
            cj = cj + col8_v[pl.ds(r * E + j * LANES, LANES)]
        col_v[pl.ds(j * LANES, LANES)] = cj

    @plsc.parallel_loop(0, SEL_PER_TILE // LANES,
                        carry=jnp.zeros((LANES,), jnp.float32), unroll=8)
    def acc(i, a):
        idx = sel_v[pl.ds(i * LANES, LANES)]
        return a + plsc.load_gather(col_v, [idx])

    vec_v[...] = acc
    pltpu.sync_copy(vec_v, shared_acc.at[pl.ds(s * LANES, LANES)])
    plsc.subcore_barrier()

    @pl.when(s == 0)
    def _finish():
        pltpu.sync_copy(shared_acc, accall_v)
        tot = accall_v[pl.ds(0, LANES)]
        for t in range(1, NS):
            tot = tot + accall_v[pl.ds(t * LANES, LANES)]
        total = jnp.sum(tot) * SCALE
        vec_v[...] = jnp.full((LANES,), total, jnp.float32)
        pltpu.sync_copy(vec_v, out_hbm)


def kernel(router_probs, selected_experts):
    sel = selected_experts.astype(jnp.int32)
    colsum8 = _colsum_tc(router_probs)
    out = _lb_gather_kernel(colsum8.reshape(-1), sel[:, 0], sel[:, 1])
    return out[0] * 1.0

# --- scband reference (transcript-rebuilt; emitter-appended) ---
"""Pipeline reference for scband-load-balancing-loss-40355512714057 (READ-ONLY COPY).

The authoritative reference and input builder live on the scoring server;
editing this copy changes nothing except your own understanding.
"""

import jax, jax.numpy as jnp
import numpy as np

N_EXPERTS = 64
N_ACTIVE = 2

def setup_inputs(seed: int = 0) -> dict:
    key = jax.random.key(seed)
    k1, k2 = jax.random.split(key)
    router_probs = jax.random.uniform(k1, (16384, 64), dtype=jnp.float32)
    selected_experts = jax.random.randint(k2, (16384, 2), 0, 64, dtype=jnp.int64 if jax.config.jax_enable_x64 else jnp.int32)
    return {"router_probs": router_probs, "selected_experts": selected_experts}

def reference(router_probs, selected_experts):
    N, E = router_probs.shape
    k = selected_experts.shape[1]
    one_hot = jax.nn.one_hot(selected_experts, E, dtype=jnp.float32)  # [N, k, E]
    tokens_per_expert = one_hot.sum(axis=0).sum(axis=0) / (N * k)    # [E]
    P_per_expert = router_probs.mean(axis=0)                          # [E]
    lb_loss = E * (tokens_per_expert * P_per_expert).sum()
    return lb_loss

if __name__ == "__main__":
    import jax
    _d = setup_inputs()
    print(jax.jit(kernel)(*tuple(_d.values())))

</pallas_src>

<mosaic_0001>
#map = affine_map<(d0, d1) -> (0)>
module attributes {stable_mosaic.version = 14 : i64} {
  func.func @_lb_gather_kernel(%arg0: i32, %arg1: i32, %arg2: memref<512xf32, #tpu.memory_space<hbm>>, %arg3: memref<16384xi32, #tpu.memory_space<hbm>>, %arg4: memref<16384xi32, #tpu.memory_space<hbm>>, %arg5: memref<16xf32, #tpu.memory_space<hbm>>, %arg6: memref<512xf32, #tpu.memory_space<vmem>>, %arg7: memref<2048xi32, #tpu.memory_space<vmem>>, %arg8: memref<64xf32, #tpu.memory_space<vmem>>, %arg9: memref<16xf32, #tpu.memory_space<vmem>>, %arg10: memref<256xf32, #tpu.memory_space<vmem>>, %arg11: memref<256xf32, #tpu.memory_space<vmem_shared>>) attributes {dimension_semantics = [#tpu.dimension_semantics<core_parallel>, #tpu.dimension_semantics<subcore_parallel>], iteration_bounds = array<i64: 1, 16>, scalar_prefetch = 0 : i64, scratch_operands = 6 : i64, tpu.core_type = #tpu.core_type<sc_vector_subcore>, window_params = [{transform_indices = #map}, {transform_indices = #map}, {transform_indices = #map}, {transform_indices = #map}]} {
    "tpu.region"() ({
      %run_scoped3A = tpu.sem_alloc : memref<!tpu.dma_semaphore, #tpu.memory_space<semaphore_mem>>
      tpu.enqueue_dma source(%arg2 : memref<512xf32, #tpu.memory_space<hbm>>) target(%arg6 : memref<512xf32, #tpu.memory_space<vmem>>) target_semaphore(%run_scoped3A : memref<!tpu.dma_semaphore, #tpu.memory_space<semaphore_mem>>)
      tpu.wait_dma2 semaphore(%run_scoped3A : memref<!tpu.dma_semaphore, #tpu.memory_space<semaphore_mem>>) src(%arg2 : memref<512xf32, #tpu.memory_space<hbm>>) dst(%arg6 : memref<512xf32, #tpu.memory_space<vmem>>)
      tpu.yield
    }) : () -> ()
    %mul3A = arith.constant 1024 : i32
    %mul3A_0 = arith.muli %arg1, %mul3A : i32
    "tpu.region"() ({
      %run_scoped3A = tpu.sem_alloc : memref<!tpu.dma_semaphore, #tpu.memory_space<semaphore_mem>>
      %dma_start3A = arith.constant 0 : i32
      %dma_start3A_110 = tpu.memref_slice %arg7[%dma_start3A] : memref<2048xi32, #tpu.memory_space<vmem>> -> memref<1024xi32, #tpu.memory_space<vmem>>
      %dma_start3A_111 = tpu.memref_slice %arg3[%mul3A_0] : memref<16384xi32, #tpu.memory_space<hbm>> -> memref<1024xi32, #tpu.memory_space<hbm>>
      %dma_start3A_112 = arith.constant 0 : i32
      %dma_start3A_113 = tpu.memref_slice %arg7[%dma_start3A_112] : memref<2048xi32, #tpu.memory_space<vmem>> -> memref<1024xi32, #tpu.memory_space<vmem>>
      %dma_start3A_114 = tpu.memref_slice %arg3[%mul3A_0] : memref<16384xi32, #tpu.memory_space<hbm>> -> memref<1024xi32, #tpu.memory_space<hbm>>
      tpu.enqueue_dma source(%dma_start3A_114 : memref<1024xi32, #tpu.memory_space<hbm>>) target(%dma_start3A_113 : memref<1024xi32, #tpu.memory_space<vmem>>) target_semaphore(%run_scoped3A : memref<!tpu.dma_semaphore, #tpu.memory_space<semaphore_mem>>)
      %dma_wait3A = arith.constant 0 : i32
      %dma_wait3A_115 = tpu.memref_slice %arg7[%dma_wait3A] : memref<2048xi32, #tpu.memory_space<vmem>> -> memref<1024xi32, #tpu.memory_space<vmem>>
      %dma_wait3A_116 = tpu.memref_slice %arg3[%mul3A_0] : memref<16384xi32, #tpu.memory_space<hbm>> -> memref<1024xi32, #tpu.memory_space<hbm>>
      %dma_wait3A_117 = arith.constant 0 : i32
      %dma_wait3A_118 = tpu.memref_slice %arg7[%dma_wait3A_117] : memref<2048xi32, #tpu.memory_space<vmem>> -> memref<1024xi32, #tpu.memory_space<vmem>>
      %dma_wait3A_119 = tpu.memref_slice %arg3[%mul3A_0] : memref<16384xi32, #tpu.memory_space<hbm>> -> memref<1024xi32, #tpu.memory_space<hbm>>
      tpu.wait_dma2 semaphore(%run_scoped3A : memref<!tpu.dma_semaphore, #tpu.memory_space<semaphore_mem>>) src(%dma_wait3A_119 : memref<1024xi32, #tpu.memory_space<hbm>>) dst(%dma_wait3A_118 : memref<1024xi32, #tpu.memory_space<vmem>>)
      tpu.yield
    }) : () -> ()
    %mul3A_1 = arith.constant 1024 : i32
    %mul3A_2 = arith.muli %arg1, %mul3A_1 : i32
    "tpu.region"() ({
      %run_scoped3A = tpu.sem_alloc : memref<!tpu.dma_semaphore, #tpu.memory_space<semaphore_mem>>
      %dma_start3A = arith.constant 1024 : i32
      %dma_start3A_110 = tpu.memref_slice %arg7[%dma_start3A] : memref<2048xi32, #tpu.memory_space<vmem>> -> memref<1024xi32, #tpu.memory_space<vmem>>
      %dma_start3A_111 = tpu.memref_slice %arg4[%mul3A_2] : memref<16384xi32, #tpu.memory_space<hbm>> -> memref<1024xi32, #tpu.memory_space<hbm>>
      %dma_start3A_112 = arith.constant 1024 : i32
      %dma_start3A_113 = tpu.memref_slice %arg7[%dma_start3A_112] : memref<2048xi32, #tpu.memory_space<vmem>> -> memref<1024xi32, #tpu.memory_space<vmem>>
      %dma_start3A_114 = tpu.memref_slice %arg4[%mul3A_2] : memref<16384xi32, #tpu.memory_space<hbm>> -> memref<1024xi32, #tpu.memory_space<hbm>>
      tpu.enqueue_dma source(%dma_start3A_114 : memref<1024xi32, #tpu.memory_space<hbm>>) target(%dma_start3A_113 : memref<1024xi32, #tpu.memory_space<vmem>>) target_semaphore(%run_scoped3A : memref<!tpu.dma_semaphore, #tpu.memory_space<semaphore_mem>>)
      %dma_wait3A = arith.constant 1024 : i32
      %dma_wait3A_115 = tpu.memref_slice %arg7[%dma_wait3A] : memref<2048xi32, #tpu.memory_space<vmem>> -> memref<1024xi32, #tpu.memory_space<vmem>>
      %dma_wait3A_116 = tpu.memref_slice %arg4[%mul3A_2] : memref<16384xi32, #tpu.memory_space<hbm>> -> memref<1024xi32, #tpu.memory_space<hbm>>
      %dma_wait3A_117 = arith.constant 1024 : i32
      %dma_wait3A_118 = tpu.memref_slice %arg7[%dma_wait3A_117] : memref<2048xi32, #tpu.memory_space<vmem>> -> memref<1024xi32, #tpu.memory_space<vmem>>
      %dma_wait3A_119 = tpu.memref_slice %arg4[%mul3A_2] : memref<16384xi32, #tpu.memory_space<hbm>> -> memref<1024xi32, #tpu.memory_space<hbm>>
      tpu.wait_dma2 semaphore(%run_scoped3A : memref<!tpu.dma_semaphore, #tpu.memory_space<semaphore_mem>>) src(%dma_wait3A_119 : memref<1024xi32, #tpu.memory_space<hbm>>) dst(%dma_wait3A_118 : memref<1024xi32, #tpu.memory_space<vmem>>)
      tpu.yield
    }) : () -> ()
    %get3A = arith.constant 0 : index
    %get3A_3 = tpu.vector_load %arg6[%get3A] {strides = array<i32>} : memref<512xf32, #tpu.memory_space<vmem>>, vector<16xf32>,
    %get3A_4 = arith.constant 64 : index
    %get3A_5 = tpu.vector_load %arg6[%get3A_4] {strides = array<i32>} : memref<512xf32, #tpu.memory_space<vmem>>, vector<16xf32>,
    %add3A = arith.addf %get3A_3, %get3A_5 : vector<16xf32>
    %get3A_6 = arith.constant 128 : index
    %get3A_7 = tpu.vector_load %arg6[%get3A_6] {strides = array<i32>} : memref<512xf32, #tpu.memory_space<vmem>>, vector<16xf32>,
    %add3A_8 = arith.addf %add3A, %get3A_7 : vector<16xf32>
    %get3A_9 = arith.constant 192 : index
    %get3A_10 = tpu.vector_load %arg6[%get3A_9] {strides = array<i32>} : memref<512xf32, #tpu.memory_space<vmem>>, vector<16xf32>,
    %add3A_11 = arith.addf %add3A_8, %get3A_10 : vector<16xf32>
    %get3A_12 = arith.constant 256 : index
    %get3A_13 = tpu.vector_load %arg6[%get3A_12] {strides = array<i32>} : memref<512xf32, #tpu.memory_space<vmem>>, vector<16xf32>,
    %add3A_14 = arith.addf %add3A_11, %get3A_13 : vector<16xf32>
    %get3A_15 = arith.constant 320 : index
    %get3A_16 = tpu.vector_load %arg6[%get3A_15] {strides = array<i32>} : memref<512xf32, #tpu.memory_space<vmem>>, vector<16xf32>,
    %add3A_17 = arith.addf %add3A_14, %get3A_16 : vector<16xf32>
    %get3A_18 = arith.constant 384 : index
    %get3A_19 = tpu.vector_load %arg6[%get3A_18] {strides = array<i32>} : memref<512xf32, #tpu.memory_space<vmem>>, vector<16xf32>,
    %add3A_20 = arith.addf %add3A_17, %get3A_19 : vector<16xf32>
    %get3A_21 = arith.constant 448 : index
    %get3A_22 = tpu.vector_load %arg6[%get3A_21] {strides = array<i32>} : memref<512xf32, #tpu.memory_space<vmem>>, vector<16xf32>,
    %add3A_23 = arith.addf %add3A_20, %get3A_22 : vector<16xf32>
    %swap3A = arith.constant 0 : index
    %swap3A_24 = tpu.vector_load %arg8[%swap3A] {strides = array<i32>} : memref<64xf32, #tpu.memory_space<vmem>>, vector<16xf32>,
    tpu.vector_store %arg8[%swap3A], %add3A_23 {strides = array<i32>} : memref<64xf32, #tpu.memory_space<vmem>>, vector<16xf32>,
    %get3A_25 = arith.constant 16 : index
    %get3A_26 = tpu.vector_load %arg6[%get3A_25] {strides = array<i32>} : memref<512xf32, #tpu.memory_space<vmem>>, vector<16xf32>,
    %get3A_27 = arith.constant 80 : index
    %get3A_28 = tpu.vector_load %arg6[%get3A_27] {strides = array<i32>} : memref<512xf32, #tpu.memory_space<vmem>>, vector<16xf32>,
    %add3A_29 = arith.addf %get3A_26, %get3A_28 : vector<16xf32>
    %get3A_30 = arith.constant 144 : index
    %get3A_31 = tpu.vector_load %arg6[%get3A_30] {strides = array<i32>} : memref<512xf32, #tpu.memory_space<vmem>>, vector<16xf32>,
    %add3A_32 = arith.addf %add3A_29, %get3A_31 : vector<16xf32>
    %get3A_33 = arith.constant 208 : index
    %get3A_34 = tpu.vector_load %arg6[%get3A_33] {strides = array<i32>} : memref<512xf32, #tpu.memory_space<vmem>>, vector<16xf32>,
    %add3A_35 = arith.addf %add3A_32, %get3A_34 : vector<16xf32>
    %get3A_36 = arith.constant 272 : index
    %get3A_37 = tpu.vector_load %arg6[%get3A_36] {strides = array<i32>} : memref<512xf32, #tpu.memory_space<vmem>>, vector<16xf32>,
    %add3A_38 = arith.addf %add3A_35, %get3A_37 : vector<16xf32>
    %get3A_39 = arith.constant 336 : index
    %get3A_40 = tpu.vector_load %arg6[%get3A_39] {strides = array<i32>} : memref<512xf32, #tpu.memory_space<vmem>>, vector<16xf32>,
    %add3A_41 = arith.addf %add3A_38, %get3A_40 : vector<16xf32>
    %get3A_42 = arith.constant 400 : index
    %get3A_43 = tpu.vector_load %arg6[%get3A_42] {strides = array<i32>} : memref<512xf32, #tpu.memory_space<vmem>>, vector<16xf32>,
    %add3A_44 = arith.addf %add3A_41, %get3A_43 : vector<16xf32>
    %get3A_45 = arith.constant 464 : index
    %get3A_46 = tpu.vector_load %arg6[%get3A_45] {strides = array<i32>} : memref<512xf32, #tpu.memory_space<vmem>>, vector<16xf32>,
    %add3A_47 = arith.addf %add3A_44, %get3A_46 : vector<16xf32>
    %swap3A_48 = arith.constant 16 : index
    %swap3A_49 = tpu.vector_load %arg8[%swap3A_48] {strides = array<i32>} : memref<64xf32, #tpu.memory_space<vmem>>, vector<16xf32>,
    tpu.vector_store %arg8[%swap3A_48], %add3A_47 {strides = array<i32>} : memref<64xf32, #tpu.memory_space<vmem>>, vector<16xf32>,
    %get3A_50 = arith.constant 32 : index
    %get3A_51 = tpu.vector_load %arg6[%get3A_50] {strides = array<i32>} : memref<512xf32, #tpu.memory_space<vmem>>, vector<16xf32>,
    %get3A_52 = arith.constant 96 : index
    %get3A_53 = tpu.vector_load %arg6[%get3A_52] {strides = array<i32>} : memref<512xf32, #tpu.memory_space<vmem>>, vector<16xf32>,
    %add3A_54 = arith.addf %get3A_51, %get3A_53 : vector<16xf32>
    %get3A_55 = arith.constant 160 : index
    %get3A_56 = tpu.vector_load %arg6[%get3A_55] {strides = array<i32>} : memref<512xf32, #tpu.memory_space<vmem>>, vector<16xf32>,
    %add3A_57 = arith.addf %add3A_54, %get3A_56 : vector<16xf32>
    %get3A_58 = arith.constant 224 : index
    %get3A_59 = tpu.vector_load %arg6[%get3A_58] {strides = array<i32>} : memref<512xf32, #tpu.memory_space<vmem>>, vector<16xf32>,
    %add3A_60 = arith.addf %add3A_57, %get3A_59 : vector<16xf32>
    %get3A_61 = arith.constant 288 : index
    %get3A_62 = tpu.vector_load %arg6[%get3A_61] {strides = array<i32>} : memref<512xf32, #tpu.memory_space<vmem>>, vector<16xf32>,
    %add3A_63 = arith.addf %add3A_60, %get3A_62 : vector<16xf32>
    %get3A_64 = arith.constant 352 : index
    %get3A_65 = tpu.vector_load %arg6[%get3A_64] {strides = array<i32>} : memref<512xf32, #tpu.memory_space<vmem>>, vector<16xf32>,
    %add3A_66 = arith.addf %add3A_63, %get3A_65 : vector<16xf32>
    %get3A_67 = arith.constant 416 : index
    %get3A_68 = tpu.vector_load %arg6[%get3A_67] {strides = array<i32>} : memref<512xf32, #tpu.memory_space<vmem>>, vector<16xf32>,
    %add3A_69 = arith.addf %add3A_66, %get3A_68 : vector<16xf32>
    %get3A_70 = arith.constant 480 : index
    %get3A_71 = tpu.vector_load %arg6[%get3A_70] {strides = array<i32>} : memref<512xf32, #tpu.memory_space<vmem>>, vector<16xf32>,
    %add3A_72 = arith.addf %add3A_69, %get3A_71 : vector<16xf32>
    %swap3A_73 = arith.constant 32 : index
    %swap3A_74 = tpu.vector_load %arg8[%swap3A_73] {strides = array<i32>} : memref<64xf32, #tpu.memory_space<vmem>>, vector<16xf32>,
    tpu.vector_store %arg8[%swap3A_73], %add3A_72 {strides = array<i32>} : memref<64xf32, #tpu.memory_space<vmem>>, vector<16xf32>,
    %get3A_75 = arith.constant 48 : index
    %get3A_76 = tpu.vector_load %arg6[%get3A_75] {strides = array<i32>} : memref<512xf32, #tpu.memory_space<vmem>>, vector<16xf32>,
    %get3A_77 = arith.constant 112 : index
    %get3A_78 = tpu.vector_load %arg6[%get3A_77] {strides = array<i32>} : memref<512xf32, #tpu.memory_space<vmem>>, vector<16xf32>,
    %add3A_79 = arith.addf %get3A_76, %get3A_78 : vector<16xf32>
    %get3A_80 = arith.constant 176 : index
    %get3A_81 = tpu.vector_load %arg6[%get3A_80] {strides = array<i32>} : memref<512xf32, #tpu.memory_space<vmem>>, vector<16xf32>,
    %add3A_82 = arith.addf %add3A_79, %get3A_81 : vector<16xf32>
    %get3A_83 = arith.constant 240 : index
    %get3A_84 = tpu.vector_load %arg6[%get3A_83] {strides = array<i32>} : memref<512xf32, #tpu.memory_space<vmem>>, vector<16xf32>,
    %add3A_85 = arith.addf %add3A_82, %get3A_84 : vector<16xf32>
    %get3A_86 = arith.constant 304 : index
    %get3A_87 = tpu.vector_load %arg6[%get3A_86] {strides = array<i32>} : memref<512xf32, #tpu.memory_space<vmem>>, vector<16xf32>,
    %add3A_88 = arith.addf %add3A_85, %get3A_87 : vector<16xf32>
    %get3A_89 = arith.constant 368 : index
    %get3A_90 = tpu.vector_load %arg6[%get3A_89] {strides = array<i32>} : memref<512xf32, #tpu.memory_space<vmem>>, vector<16xf32>,
    %add3A_91 = arith.addf %add3A_88, %get3A_90 : vector<16xf32>
    %get3A_92 = arith.constant 432 : index
    %get3A_93 = tpu.vector_load %arg6[%get3A_92] {strides = array<i32>} : memref<512xf32, #tpu.memory_space<vmem>>, vector<16xf32>,
    %add3A_94 = arith.addf %add3A_91, %get3A_93 : vector<16xf32>
    %get3A_95 = arith.constant 496 : index
    %get3A_96 = tpu.vector_load %arg6[%get3A_95] {strides = array<i32>} : memref<512xf32, #tpu.memory_space<vmem>>, vector<16xf32>,
    %add3A_97 = arith.addf %add3A_94, %get3A_96 : vector<16xf32>
    %swap3A_98 = arith.constant 48 : index
    %swap3A_99 = tpu.vector_load %arg8[%swap3A_98] {strides = array<i32>} : memref<64xf32, #tpu.memory_space<vmem>>, vector<16xf32>,
    tpu.vector_store %arg8[%swap3A_98], %add3A_97 {strides = array<i32>} : memref<64xf32, #tpu.memory_space<vmem>>, vector<16xf32>,
    %broadcast_in_dim3A = arith.constant 0.000000e+00 : f32
    %broadcast_in_dim3A_100 = vector.broadcast %broadcast_in_dim3A : f32 to vector<16xf32>
    %parallel_loop3A = arith.constant 0 : i32
    %parallel_loop3A_101 = arith.constant 128 : i32
    %parallel_loop3A_102 = arith.constant 1 : i32
    %parallel_loop3A_103 = scf.for %parallel_loop3A_110 = %parallel_loop3A to %parallel_loop3A_101 step %parallel_loop3A_102 iter_args(%parallel_loop3A_111 = %broadcast_in_dim3A_100) -> (vector<16xf32>)  : i32 {
      %parallel_loop3A_112 = arith.constant 16 : i32
      %parallel_loop3A_113 = arith.muli %parallel_loop3A_110, %parallel_loop3A_112 : i32
      %parallel_loop3A_114 = arith.index_cast %parallel_loop3A_113 : i32 to index
      %parallel_loop3A_115 = tpu.vector_load %arg7[%parallel_loop3A_114] {strides = array<i32>} : memref<2048xi32, #tpu.memory_space<vmem>>, vector<16xi32>,
      %parallel_loop3A_116 = tpu.vector_load_idx %arg8[%parallel_loop3A_115] : memref<64xf32, #tpu.memory_space<vmem>>[vector<16xi32>], vector<16xf32>,
      %parallel_loop3A_117 = arith.addf %parallel_loop3A_111, %parallel_loop3A_116 : vector<16xf32>
      scf.yield %parallel_loop3A_117 : vector<16xf32>
    } {sc.loop_unroll_factor = 8 : i64, sc.parallel_access}
    %swap3A_104 = arith.constant 0 : index
    %swap3A_105 = tpu.vector_load %arg9[%swap3A_104] {strides = array<i32>} : memref<16xf32, #tpu.memory_space<vmem>>, vector<16xf32>,
    tpu.vector_store %arg9[%swap3A_104], %parallel_loop3A_103 {strides = array<i32>} : memref<16xf32, #tpu.memory_space<vmem>>, vector<16xf32>,
    %mul3A_106 = arith.constant 16 : i32
    %mul3A_107 = arith.muli %arg1, %mul3A_106 : i32
    "tpu.region"() ({
      %run_scoped3A = tpu.sem_alloc : memref<!tpu.dma_semaphore, #tpu.memory_space<semaphore_mem>>
      %dma_start3A = tpu.memref_slice %arg11[%mul3A_107] : memref<256xf32, #tpu.memory_space<vmem_shared>> -> memref<16xf32, #tpu.memory_space<vmem_shared>>
      %dma_start3A_110 = tpu.memref_slice %arg11[%mul3A_107] : memref<256xf32, #tpu.memory_space<vmem_shared>> -> memref<16xf32, #tpu.memory_space<vmem_shared>>
      tpu.enqueue_dma source(%arg9 : memref<16xf32, #tpu.memory_space<vmem>>) target(%dma_start3A_110 : memref<16xf32, #tpu.memory_space<vmem_shared>>) target_semaphore(%run_scoped3A : memref<!tpu.dma_semaphore, #tpu.memory_space<semaphore_mem>>)
      %dma_wait3A = tpu.memref_slice %arg11[%mul3A_107] : memref<256xf32, #tpu.memory_space<vmem_shared>> -> memref<16xf32, #tpu.memory_space<vmem_shared>>
      %dma_wait3A_111 = tpu.memref_slice %arg11[%mul3A_107] : memref<256xf32, #tpu.memory_space<vmem_shared>> -> memref<16xf32, #tpu.memory_space<vmem_shared>>
      tpu.wait_dma2 semaphore(%run_scoped3A : memref<!tpu.dma_semaphore, #tpu.memory_space<semaphore_mem>>) src(%arg9 : memref<16xf32, #tpu.memory_space<vmem>>) dst(%dma_wait3A_111 : memref<16xf32, #tpu.memory_space<vmem_shared>>)
      tpu.yield
    }) : () -> ()
    %barrier3A = arith.constant 0 : index
    tpu.barrier barrier_id(%barrier3A)
    %eq3A = arith.constant 0 : i32
    %eq3A_108 = arith.cmpi eq, %arg1, %eq3A : i32
    %convert_element_type3A = arith.extui %eq3A_108 : i1 to i32
    %cond3A = arith.constant 0 : i32
    %cond3A_109 = arith.cmpi ne, %convert_element_type3A, %cond3A : i32
    scf.if %cond3A_109 {
      "tpu.region"() ({
        %run_scoped3A = tpu.sem_alloc : memref<!tpu.dma_semaphore, #tpu.memory_space<semaphore_mem>>
        tpu.enqueue_dma source(%arg11 : memref<256xf32, #tpu.memory_space<vmem_shared>>) target(%arg10 : memref<256xf32, #tpu.memory_space<vmem>>) target_semaphore(%run_scoped3A : memref<!tpu.dma_semaphore, #tpu.memory_space<semaphore_mem>>)
        tpu.wait_dma2 semaphore(%run_scoped3A : memref<!tpu.dma_semaphore, #tpu.memory_space<semaphore_mem>>) src(%arg11 : memref<256xf32, #tpu.memory_space<vmem_shared>>) dst(%arg10 : memref<256xf32, #tpu.memory_space<vmem>>)
        tpu.yield
      }) : () -> ()
      %get3A_110 = arith.constant 0 : index
      %get3A_111 = tpu.vector_load %arg10[%get3A_110] {strides = array<i32>} : memref<256xf32, #tpu.memory_space<vmem>>, vector<16xf32>,
      %get3A_112 = arith.constant 16 : index
      %get3A_113 = tpu.vector_load %arg10[%get3A_112] {strides = array<i32>} : memref<256xf32, #tpu.memory_space<vmem>>, vector<16xf32>,
      %add3A_114 = arith.addf %get3A_111, %get3A_113 : vector<16xf32>
      %get3A_115 = arith.constant 32 : index
      %get3A_116 = tpu.vector_load %arg10[%get3A_115] {strides = array<i32>} : memref<256xf32, #tpu.memory_space<vmem>>, vector<16xf32>,
      %add3A_117 = arith.addf %add3A_114, %get3A_116 : vector<16xf32>
      %get3A_118 = arith.constant 48 : index
      %get3A_119 = tpu.vector_load %arg10[%get3A_118] {strides = array<i32>} : memref<256xf32, #tpu.memory_space<vmem>>, vector<16xf32>,
      %add3A_120 = arith.addf %add3A_117, %get3A_119 : vector<16xf32>
      %get3A_121 = arith.constant 64 : index
      %get3A_122 = tpu.vector_load %arg10[%get3A_121] {strides = array<i32>} : memref<256xf32, #tpu.memory_space<vmem>>, vector<16xf32>,
      %add3A_123 = arith.addf %add3A_120, %get3A_122 : vector<16xf32>
      %get3A_124 = arith.constant 80 : index
      %get3A_125 = tpu.vector_load %arg10[%get3A_124] {strides = array<i32>} : memref<256xf32, #tpu.memory_space<vmem>>, vector<16xf32>,
      %add3A_126 = arith.addf %add3A_123, %get3A_125 : vector<16xf32>
      %get3A_127 = arith.constant 96 : index
      %get3A_128 = tpu.vector_load %arg10[%get3A_127] {strides = array<i32>} : memref<256xf32, #tpu.memory_space<vmem>>, vector<16xf32>,
      %add3A_129 = arith.addf %add3A_126, %get3A_128 : vector<16xf32>
      %get3A_130 = arith.constant 112 : index
      %get3A_131 = tpu.vector_load %arg10[%get3A_130] {strides = array<i32>} : memref<256xf32, #tpu.memory_space<vmem>>, vector<16xf32>,
      %add3A_132 = arith.addf %add3A_129, %get3A_131 : vector<16xf32>
      %get3A_133 = arith.constant 128 : index
      %get3A_134 = tpu.vector_load %arg10[%get3A_133] {strides = array<i32>} : memref<256xf32, #tpu.memory_space<vmem>>, vector<16xf32>,
      %add3A_135 = arith.addf %add3A_132, %get3A_134 : vector<16xf32>
      %get3A_136 = arith.constant 144 : index
      %get3A_137 = tpu.vector_load %arg10[%get3A_136] {strides = array<i32>} : memref<256xf32, #tpu.memory_space<vmem>>, vector<16xf32>,
      %add3A_138 = arith.addf %add3A_135, %get3A_137 : vector<16xf32>
      %get3A_139 = arith.constant 160 : index
      %get3A_140 = tpu.vector_load %arg10[%get3A_139] {strides = array<i32>} : memref<256xf32, #tpu.memory_space<vmem>>, vector<16xf32>,
      %add3A_141 = arith.addf %add3A_138, %get3A_140 : vector<16xf32>
      %get3A_142 = arith.constant 176 : index
      %get3A_143 = tpu.vector_load %arg10[%get3A_142] {strides = array<i32>} : memref<256xf32, #tpu.memory_space<vmem>>, vector<16xf32>,
      %add3A_144 = arith.addf %add3A_141, %get3A_143 : vector<16xf32>
      %get3A_145 = arith.constant 192 : index
      %get3A_146 = tpu.vector_load %arg10[%get3A_145] {strides = array<i32>} : memref<256xf32, #tpu.memory_space<vmem>>, vector<16xf32>,
      %add3A_147 = arith.addf %add3A_144, %get3A_146 : vector<16xf32>
      %get3A_148 = arith.constant 208 : index
      %get3A_149 = tpu.vector_load %arg10[%get3A_148] {strides = array<i32>} : memref<256xf32, #tpu.memory_space<vmem>>, vector<16xf32>,
      %add3A_150 = arith.addf %add3A_147, %get3A_149 : vector<16xf32>
      %get3A_151 = arith.constant 224 : index
      %get3A_152 = tpu.vector_load %arg10[%get3A_151] {strides = array<i32>} : memref<256xf32, #tpu.memory_space<vmem>>, vector<16xf32>,
      %add3A_153 = arith.addf %add3A_150, %get3A_152 : vector<16xf32>
      %get3A_154 = arith.constant 240 : index
      %get3A_155 = tpu.vector_load %arg10[%get3A_154] {strides = array<i32>} : memref<256xf32, #tpu.memory_space<vmem>>, vector<16xf32>,
      %add3A_156 = arith.addf %add3A_153, %get3A_155 : vector<16xf32>
      %reduce_sum3A = arith.constant true
      %reduce_sum3A_157 = vector.broadcast %reduce_sum3A : i1 to vector<16xi1>
      %reduce_sum3A_158 = tpu.scan <sum>, %add3A_156 masked %reduce_sum3A_157 : vector<16xf32>, vector<16xi1> -> vector<16xf32>
      %reduce_sum3A_159 = vector.extract %reduce_sum3A_158[15] : f32 from vector<16xf32>
      %mul3A_160 = arith.constant 1.1920929E-7 : f32
      %mul3A_161 = arith.mulf %reduce_sum3A_159, %mul3A_160 : f32
      %broadcast_in_dim3A_162 = vector.broadcast %mul3A_161 : f32 to vector<16xf32>
      %swap3A_163 = arith.constant 0 : index
      %swap3A_164 = tpu.vector_load %arg9[%swap3A_163] {strides = array<i32>} : memref<16xf32, #tpu.memory_space<vmem>>, vector<16xf32>,
      tpu.vector_store %arg9[%swap3A_163], %broadcast_in_dim3A_162 {strides = array<i32>} : memref<16xf32, #tpu.memory_space<vmem>>, vector<16xf32>,
      "tpu.region"() ({
        %run_scoped3A = tpu.sem_alloc : memref<!tpu.dma_semaphore, #tpu.memory_space<semaphore_mem>>
        tpu.enqueue_dma source(%arg9 : memref<16xf32, #tpu.memory_space<vmem>>) target(%arg5 : memref<16xf32, #tpu.memory_space<hbm>>) target_semaphore(%run_scoped3A : memref<!tpu.dma_semaphore, #tpu.memory_space<semaphore_mem>>)
        tpu.wait_dma2 semaphore(%run_scoped3A : memref<!tpu.dma_semaphore, #tpu.memory_space<semaphore_mem>>) src(%arg9 : memref<16xf32, #tpu.memory_space<vmem>>) dst(%arg5 : memref<16xf32, #tpu.memory_space<hbm>>)
        tpu.yield
      }) : () -> ()
    } else {
    }
    return
  }
}

module attributes {stable_mosaic.version = 14 : i64} {
  func.func @_colsum_tc_body(%arg0: i32, %arg1: memref<8192x64xf32, #tpu.memory_space<vmem>>, %arg2: memref<8x64xf32, #tpu.memory_space<vmem>>) attributes {dimension_semantics = [#tpu.dimension_semantics<arbitrary>], iteration_bounds = array<i64: 2>, scalar_prefetch = 0 : i64, scratch_operands = 0 : i64, tpu.core_type = #tpu.core_type<tc>, window_params = [{transform_indices = @transform_0, window_bounds = array<i64: 8192, 64>}, {pipeline_mode = #tpu.pipeline_mode<synchronous>, transform_indices = @transform_1, window_bounds = array<i64: 8, 64>}]} {
    %eq3A = arith.constant 0 : i32
    %eq3A_0 = arith.cmpi eq, %arg0, %eq3A : i32
    %convert_element_type3A = arith.extui %eq3A_0 : i1 to i32
    %cond3A = arith.constant 0 : i32
    %cond3A_1 = arith.cmpi ne, %convert_element_type3A, %cond3A : i32
    scf.if %cond3A_1 {
      %broadcast_in_dim3A = arith.constant 0.000000e+00 : f32
      %broadcast_in_dim3A_10 = vector.broadcast %broadcast_in_dim3A : f32 to vector<8x64xf32>
      %swap3A_11 = arith.constant 0 : index
      %swap3A_12 = arith.constant 0 : index
      %swap3A_13 = vector.load %arg2[%swap3A_11, %swap3A_12] : memref<8x64xf32, #tpu.memory_space<vmem>>, vector<8x64xf32>
      tpu.vector_store %arg2[%swap3A_11, %swap3A_12], %broadcast_in_dim3A_10 {strides = array<i32>} : memref<8x64xf32, #tpu.memory_space<vmem>>, vector<8x64xf32>,
    } else {
    }
    %get3A = arith.constant 0 : index
    %get3A_2 = arith.constant 0 : index
    %get3A_3 = vector.load %arg1[%get3A, %get3A_2] : memref<8192x64xf32, #tpu.memory_space<vmem>>, vector<8192x64xf32>
    %reshape3A = vector.shape_cast %get3A_3 : vector<8192x64xf32> to vector<1024x8x64xf32>
    %get3A_4 = arith.constant 0 : index
    %get3A_5 = arith.constant 0 : index
    %get3A_6 = vector.load %arg2[%get3A_4, %get3A_5] : memref<8x64xf32, #tpu.memory_space<vmem>>, vector<8x64xf32>
    %reduce_sum3A = arith.constant dense<0.000000e+00> : vector<8x64xf32>
    %reduce_sum3A_7 = vector.multi_reduction <add>, %reshape3A, %reduce_sum3A [0] : vector<1024x8x64xf32> to vector<8x64xf32>
    %add3A = arith.addf %get3A_6, %reduce_sum3A_7 : vector<8x64xf32>
    %swap3A = arith.constant 0 : index
    %swap3A_8 = arith.constant 0 : index
    %swap3A_9 = vector.load %arg2[%swap3A, %swap3A_8] : memref<8x64xf32, #tpu.memory_space<vmem>>, vector<8x64xf32>
    tpu.vector_store %arg2[%swap3A, %swap3A_8], %add3A {strides = array<i32>} : memref<8x64xf32, #tpu.memory_space<vmem>>, vector<8x64xf32>,
    return
  }
  func.func @transform_0(%arg0: i32) -> (i32, i32) {
    %c0_i32 = arith.constant 0 : i32
    %c0_i32_0 = arith.constant 0 : i32
    return %arg0, %c0_i32 : i32, i32
  }
  func.func @transform_1(%arg0: i32) -> (i32, i32) {
    %c0_i32 = arith.constant 0 : i32
    %c0_i32_0 = arith.constant 0 : i32
    %c0_i32_1 = arith.constant 0 : i32
    return %c0_i32, %c0_i32_0 : i32, i32
  }
}

</mosaic_0001>

<sc_bundles>
// kernel: kernel.4.cloned.1.call-start
scs
__scs_entry_jumppad:
0x0: {  	(pc) =	sbr.rel $0x88, $3  }
0x1: {  	(tag) =	ssettag $0x0;
	lr =	simm.s32 $0x1  }
0x2: {  	[smem:$0x3F9F] =	sst lr;
	_ =	strace $0xD0000000  }
0x3: {  	_ = 	snop  }
0x4: {  	_ = 	snop  }
0x5: {  	_ = 	snop  }
0x6: {  	_ = 	snop  }
0x7: {  	_ = 	snop  }
__scs_overlays_trampoline_lowered:
0x8: {  	[smem:$0x3FAE] =	sst s0  }
0x9: {  	[smem:$0x3FAF] =	sst s1  }
0xa: {  	[smem:$0x3FB0] =	sst s2  }
0xb: {  	[smem:$0x3FB1] =	sst s3  }
0xc: {  	[smem:$0x3FB2] =	sst s4  }
0xd: {  	[smem:$0x3FB3] =	sst s5  }
0xe: {  	[smem:$0x3FB4] =	sst s6  }
0xf: {  	[smem:$0x3FB5] =	sst s7  }
0x10: {  	[smem:$0x3FB6] =	sst s8  }
0x11: {  	[smem:$0x3FB7] =	sst s9;
	s0 =	simm.s32 @!p0 $0x0  }
0x12: {  	s1 =	sld [smem:$0x3F9D];
	s0 =	simm.s32 @p0 $0x1  }
0x13: {  	[smem:$0x3FB8] =	sst s0;
	s0 =	simm.s32 @!p1 $0x0  }
0x14: {  	s2 =	sld [smem:$0x3F9C];
	s0 =	simm.s32 @p1 $0x1  }
0x15: {  	[smem:$0x3FB9] =	sst s0;
	s0 =	simm.s32 @!p2 $0x0  }
0x16: {  	s3 =	sld [smem:$0x3FDB];
	s0 =	simm.s32 @p2 $0x1  }
0x17: {  	s4 =	simm.s32 $0x1BF5;
	[smem:$0x3FBB] =	sst s0  }
0x18: {  	s0 =	sld [smem:$0x3F9E];
	_ =	swait.ge [sflag:s4], $0x0  }
0x19: {  	s7 =	sld [smem:$0x3F9F]  }
0x1a: {  	s8 =	sadd.s32 $0xFFFFE003, lr  }
0x1b: {  	s9 =	sadd.s32 $0xFFFFFEF7, lr;
	s5 =	simm.s32 $0xFFFFFFFF;
	p2 =	slt.u32 s8, $0xFFFFF086  }
0x1c: {  	p1 =	slt.u32 s9, $0xF7A;
	s5 =	simm.s32 @!p2 $0x0  }
0x1d: {  	s5 =	simm.s32 @p1 $0x1;
	p0 =	seq.s32 s7, s2  }
0x1e: {  	s7 =	smul.u32 @!p0 $0xF7A, s2;
	p2 =	seq.s32 @!p0 s5, $0x0  }
0x1f: {  	s9 =	smul.u32 $0xF7A, s1;
	s8 =	simm.s32 @!p0 $0x1BF5;
	p2 =	por !p2, p0  }
0x20: {  	[sflag:s8] =	ssyncset.s32 @!p0 $0xFFFFF086;
	s6 =	sadd.s32 @!p0 s3, s7;
	s7 =	simm.s32 @!p0 $0x108  }
0x21: {  	s3 =	sadd.s32 s3, s9;
	s6 =	sadd.s32 @!p0 $0x88, s6;
	s7 =	simm.s32 @p2 $0x1082  }
0x22: {  	[simem:s7], [sflag:s8] =	dma.local @!p0 [hbm:s6], $0xF7A  }
0x23: {  	s9 =	sor.u32 $0xD0000000, s2;
	s6 =	simm.s32 $0x108;
	_ =	swait.ge @!p0 [sflag:s8], $0x0  }
0x24: {  	s3 =	sadd.s32 $0x88, s3;
	s6 =	simm.s32 @!p1 $0x1082;
	[sflag:s4] =	ssyncset.s32 $0xFFFFF086  }
0x25: {  	[simem:s6], [sflag:s4] =	dma.local [hbm:s3], $0xF7A  }
0x26: {  	[smem:$0x3F9F] =	sst s1;
	(tag) =	ssettag s2;
	_ =	strace s9  }
0x27: {  	s1 =	sld [smem:$0x3FAF]  }
0x28: {  	s2 =	sld [smem:$0x3FB0]  }
0x29: {  	s4 =	sld [smem:$0x3FB2]  }
0x2a: {  	p0 =	seq.s32 s5, $0x0;
	s5 =	sld [smem:$0x3FB3]  }
0x2b: {  	s6 =	sld [smem:$0x3FB4]  }
0x2c: {  	s7 =	sld [smem:$0x3FB5]  }
0x2d: {  	s3 =	simm.s32 $0x108;
	s8 =	sld [smem:$0x3FB6]  }
0x2e: {  	s3 =	simm.s32 @!p0 $0x1082;
	s9 =	sld [smem:$0x3FB7]  }
0x2f: {  	lr =	sadd.s32 s0, s3;
	s0 =	sld [smem:$0x3FAE]  }
0x30: {  	s3 =	sld [smem:$0x3FB1]  }
0x31: {  	[smem:$0x3FBA] =	sst s10  }
0x32: {  	s10 =	sld [smem:$0x3FB8];
	_ =	sdelay $0x3  }
0x33: {  	p0 =	seq.s32 s10, $0x1;
	s10 =	sld [smem:$0x3FBA];
	_ =	sdelay $0x3  }
0x34: {  	[smem:$0x3FBA] =	sst s10  }
0x35: {  	s10 =	sld [smem:$0x3FB9];
	_ =	sdelay $0x3  }
0x36: {  	p1 =	seq.s32 s10, $0x1;
	s10 =	sld [smem:$0x3FBA];
	_ =	sdelay $0x3  }
0x37: {  	[smem:$0x3FBA] =	sst s10  }
0x38: {  	s10 =	sld [smem:$0x3FBB]  }
0x39: {  	_ = 	snop;
	(pc) =	sbr.ind lr, $3  }
0x3a: {  	_ = 	snop  }
0x3b: {  	_ = 	snop  }
0x3c: {  	p2 =	seq.s32 s10, $0x1;
	s10 =	sld [smem:$0x3FBA]  }
0x3d: {  	_ =	shalt  }
0x3e: {  	_ =	shalt  }
0x3f: {  	_ =	shalt  }
0x40: {  	_ =	shalt  }
0x41: {  	_ =	shalt  }
0x42: {  	_ =	shalt  }
0x43: {  	_ =	shalt  }
0x44: {  	_ =	shalt  }
0x45: {  	_ =	shalt  }
0x46: {  	_ =	shalt  }
0x47: {  	_ =	shalt  }
0x48: {  	_ =	shalt  }
0x49: {  	_ =	shalt  }
0x4a: {  	_ =	shalt  }
0x4b: {  	_ =	shalt  }
0x4c: {  	_ =	shalt  }
0x4d: {  	_ =	shalt  }
0x4e: {  	_ =	shalt  }
0x4f: {  	_ =	shalt  }
0x50: {  	_ =	shalt  }
0x51: {  	_ =	shalt  }
0x52: {  	_ =	shalt  }
0x53: {  	_ =	shalt  }
0x54: {  	_ =	shalt  }
0x55: {  	_ =	shalt  }
0x56: {  	_ =	shalt  }
0x57: {  	_ =	shalt  }
0x58: {  	_ =	shalt  }
0x59: {  	_ =	shalt  }
0x5a: {  	_ =	shalt  }
0x5b: {  	_ =	shalt  }
0x5c: {  	_ =	shalt  }
0x5d: {  	_ =	shalt  }
0x5e: {  	_ =	shalt  }
0x5f: {  	_ =	shalt  }
0x60: {  	_ =	shalt  }
0x61: {  	_ =	shalt  }
0x62: {  	_ =	shalt  }
0x63: {  	_ =	shalt  }
0x64: {  	_ =	shalt  }
0x65: {  	_ =	shalt  }
0x66: {  	_ =	shalt  }
0x67: {  	_ =	shalt  }
0x68: {  	_ =	shalt  }
0x69: {  	_ =	shalt  }
0x6a: {  	_ =	shalt  }
0x6b: {  	_ =	shalt  }
0x6c: {  	_ =	shalt  }
0x6d: {  	_ =	shalt  }
0x6e: {  	_ =	shalt  }
0x6f: {  	_ =	shalt  }
0x70: {  	_ =	shalt  }
0x71: {  	_ =	shalt  }
0x72: {  	_ =	shalt  }
0x73: {  	_ =	shalt  }
0x74: {  	_ =	shalt  }
0x75: {  	_ =	shalt  }
0x76: {  	_ =	shalt  }
0x77: {  	_ =	shalt  }
0x78: {  	_ =	shalt  }
0x79: {  	_ =	shalt  }
0x7a: {  	_ =	shalt  }
0x7b: {  	_ =	shalt  }
0x7c: {  	_ =	shalt  }
0x7d: {  	_ =	shalt  }
0x7e: {  	_ =	shalt  }
0x7f: {  	_ =	shalt  }
0x80: {  	_ =	shalt  }
0x81: {  	_ =	shalt  }
0x82: {  	_ =	shalt  }
0x83: {  	_ =	shalt  }
0x84: {  	_ =	shalt  }
0x85: {  	_ =	shalt  }
0x86: {  	_ =	shalt  }
0x87: {  	_ =	shalt  }
.Lfunc_end0:
.L_simem_size_0:
called_computation_lowered:
.L_overlay_start_0:
0x88: {  	s0 =	sld [smem:$0x3FD9]  }
0x89: {  	s1 =	sld [smem:$0x3FFE];
	_ =	sdelay $0x3  }
0x8a: {  	s0 =	sadd.s32 s1, s0  }
0x8b: {  	[smem:$0x3FC6] =	sst s0  }
0x8c: {  	_ = 	snop  }
0x8d: {  	s0 =	sld [smem:$0x3FD0];
	(tm) =	ssettm $0x1  }
0x8e: {  	s16 =	sld [smem:$0x3FFB];
	_ =	sdelay $0x3  }
0x8f: {  	_ =	strace s16  }
0x90: {  	s1 =	sld [smem:$0x3FFC];
	_ =	sdelay $0x3  }
0x91: {  	_ =	strace s1  }
0x92: {  	s1 =	sld [smem:$0x3FFD];
	_ =	sdelay $0x3  }
0x93: {  	_ =	strace s1  }
0x94: {  	_ =	strace $0x8FFFFFFF  }
0x95: {  	s17 =	sld [smem:$0x3FDB];
	_ =	sdelay $0x1  }
0x96: {  	s2 =	simm.s32 $_scs_section_size  }
0x97: {  	s3 =	simm.s32 $_size__tile_overlayer_lowered;
	s4 =	simm.s32 $_tile_overlayer_lowered  }
0x98: {  	s20 =	simm.s32 $0x1BFF;
	s19 =	sshll.u32 s4, $0x1;
	s1 =	sadd.s32 s2, s17  }
0x99: {  	s5 =	simm.s32 $0x0;
	s18 =	sshll.u32 s3, $0x1;
	s3 =	sadd.s32 s19, s1  }
0x9a: {  	[timem:s5], [sflag:s20] =	dma.local [hbm:s3], s18  }
0x9b: {  	_ =	swait.ge [sflag:s20], s18  }
0x9c: {  	s2 =	ssub.s32 $0x0, s18;
	[sflag:s20] =	ssyncset.done $0x0  }
0x9d: {  	[sflag:s20] =	ssyncadd.s32 s2;
	_ =	sdelay $0x1  }
0x9e: {  	s21 =	simm.s32 $0x1B8B  }
0x9f: {  	_ =	swait.ge [sflag:s21], $0x1  }
0xa0: {  	[sflag:s21] =	ssyncset.done $0x0  }
0xa1: {  	s23 =	simm.s32 $0x1B8E;
	s22 =	sld [smem:$0x3FFE];
	[sflag:s21] =	ssyncadd.s32 $0xFFFFFFFF  }
0xa2: {  	s24 =	simm.s32 $execute0_lowered;
	[smem:$0x3FD2] =	sst s23  }
0xa3: {  	s3 =	sshll.u32 s24, $0x1;
	_ =	strace $0x80000046;
	[dreg:$0x1] =	wrdreg $0xFFFFFFFF  }
0xa4: {  	s25 =	simm.s32 $_size_execute0_lowered;
	s1 =	sadd.s32 s1, s3;
	[dreg:$0x0] =	wrdreg $0x0  }
0xa5: {  	s3 =	sshll.u32 s25, $0x1;
	[dreg:$0x2] =	wrdreg s1  }
0xa6: {  	[dreg:$0x3] =	wrdreg s3  }
0xa7: {  	[dreg:$0x4] =	wrdreg $0xC0  }
0xa8: {  	_ =	task [dreg:s5], $0x5FFFF  }
0xa9: {  	[dreg:$0x1] =	wrdreg $0xFFFFFFFF  }
0xaa: {  	[dreg:$0x0] =	wrdreg $0x60  }
0xab: {  	[dreg:$0x2] =	wrdreg s22  }
0xac: {  	[dreg:$0x3] =	wrdreg s0  }
0xad: {  	[dreg:$0x4] =	wrdreg $0xC000  }
0xae: {  	[dreg:$0x5] =	wrdreg $0x9  }
0xaf: {  	_ =	task.clear_ibuf [dreg:s5], $0x6FFFF;
	_ =	strace $0x90000046  }
0xb0: {  	s26 =	simm.s32 $0x9;
	_ =	strace $0x80000048  }
0xb1: {  	_ =	swait.ge [sflag:s26], $0x1  }
0xb2: {  	[sflag:s26] =	ssyncadd.s32 $0xFFFFFFFF  }
0xb3: {  	_ =	strace $0x90000048  }
0xb4: {  	_ =	sfence  }
0xb5: {  	s28 =	sld [smem:$0x0];
	_ =	sdelay $0x1  }
0xb6: {  	s29 =	srdreg.scid  }
0xb7: {  	s30 =	sshll.u32 s29, $0xD;
	s31 =	sshrl.u32 s29, $0x2  }
0xb8: {  	s2 =	sand.u32 $0x4000, s30;
	s1 =	sand.u32 $0x1, s29;
	s0 =	sadd.s32 s31, s28  }
0xb9: {  	s1 =	sor.u32 s2, s1;
	s0 =	sshll.u32 s0, $0x11  }
0xba: {  	s0 =	sor.u32 s0, s1  }
0xbb: {  	s0 =	sadd.s32 $0x8F2B, s0  }
0xbc: {  	[sflag:s0] =	ssyncadd.remote.s32 $0x1  }
0xbd: {  	_ =	sfence.sel $0xFFFF  }
0xbe: {  	[dreg:$0x0] =	wrdreg $0xFFFFFFFF;
	(pc) =	sbr.abs _section_cstart, $3  }
0xbf: {  	[dreg:$0x1] =	wrdreg $0xFFFFFFFF  }
0xc0: {  	_ =	task.clear_ibuf [dreg:s5], $0x2FFFF;
	_ =	strace $0x9FFFFFFF  }
0xc1: {  	(tm) =	ssettm $0x7FFFFFFF  }
tec
execute0_lowered:
.L_overlay_start_1:
0x0: {  	(tag) =	ssettag $0x1  }
0x1: {  	s4 =	rddreg [dreg:$0x0]  }
0x2: {  	s1 =	rddreg [dreg:$0x1]  }
0x3: {  	s2 =	rddreg [dreg:$0x2];
	s5 =	simm.s32 $0x0  }
0x4: {  	[smem:$0x7FF] =	sst s5  }
0x5: {  	s0 =	rddreg [dreg:$0x3];
	s3 =	sadd.s32 $0x800, s4;
	_ =	strace $0x80000047  }
0x6: {  	[tilespmem:s5], [sflag:$0x1] =	stream.linear.gather [hbm4b:s3+s5], $0x200, $0x38;
	[tilespmem:$0xC10] =	vst v63  }
0x7: {  	s6 =	simm.s32 $0x1;
	s3 =	stileid.u32  }
0x8: {  	s7 =	sshll.u32 s3, $0x7;
	_ =	swait.ge [sflag:s6], $0x200  }
0x9: {  	s4 =	sadd.s32 s7, s4;
	[sflag:s6] =	ssyncset.done $0x0  }
0xa: {  	s8 =	simm.s32 $0x200;
	s7 =	sadd.s32 $0x1200, s4;
	[sflag:s6] =	ssyncadd.s32 $0xFFFFFE00  }
0xb: {  	[tilespmem:s8], [sflag:$0x1] =	stream.linear.gather [hbm4b:s7+s5], $0x400, $0x38;
	[tilespmem:$0xC10] =	vst v63  }
0xc: {  	_ =	swait.ge [sflag:s6], $0x400  }
0xd: {  	[sflag:s6] =	ssyncset.done $0x0  }
0xe: {  	s30 =	simm.s32 $0x600;
	s4 =	sadd.s32 $0xA00, s4;
	[sflag:s6] =	ssyncadd.s32 $0xFFFFFC00  }
0xf: {  	[tilespmem:s30], [sflag:$0x1] =	stream.linear.gather [hbm4b:s4+s5], $0x400, $0x38;
	[tilespmem:$0xC10] =	vst v63  }
0x10: {  	_ =	swait.ge [sflag:s6], $0x400  }
0x11: {  	[sflag:s6] =	ssyncset.done $0x0  }
0x12: {  	[sflag:s6] =	ssyncadd.s32 $0xFFFFFC00  }
0x13: {  	v0 =	vld [tilespmem:$0x0]  }
0x14: {  	v1 =	vld [tilespmem:$0x40]  }
0x15: {  	v2 =	vld [tilespmem:$0x80]  }
0x16: {  	v3 =	vld [tilespmem:$0xC0]  }
0x17: {  	v4 =	vld [tilespmem:$0x100]  }
0x18: {  	v5 =	vld [tilespmem:$0x140]  }
0x19: {  	v6 =	vld [tilespmem:$0x180]  }
0x1a: {  	v7 =	vld [tilespmem:$0x1C0]  }
0x1b: {  	v8 =	vld [tilespmem:$0x10]  }
0x1c: {  	v9 =	vld [tilespmem:$0x50]  }
0x1d: {  	v10 =	vld [tilespmem:$0x90]  }
0x1e: {  	v11 =	vld [tilespmem:$0xD0]  }
0x1f: {  	v12 =	vld [tilespmem:$0x110]  }
0x20: {  	v13 =	vld [tilespmem:$0x150]  }
0x21: {  	v14 =	vld [tilespmem:$0x190]  }
0x22: {  	v15 =	vld [tilespmem:$0x1D0]  }
0x23: {  	v16 =	vld [tilespmem:$0x20]  }
0x24: {  	v17 =	vld [tilespmem:$0x60]  }
0x25: {  	v18 =	vld [tilespmem:$0x30]  }
0x26: {  	v19 =	vld [tilespmem:$0x70]  }
0x27: {  	v20 =	vld [tilespmem:$0xA0]  }
0x28: {  	v0 =	vadd.f32 v1, v0;
	v1 =	vld [tilespmem:$0xB0]  }
0x29: {  	v58 =	vld [tilespmem:$0xE0];
	v8 =	vadd.f32 v9, v8  }
0x2a: {  	v59 =	vld [tilespmem:$0xF0];
	v0 =	vadd.f32 v2, v0;
	v2 =	vadd.f32 v17, v16  }
0x2b: {  	v61 =	vld [tilespmem:$0x120];
	v60 =	vadd.f32 v19, v18;
	v8 =	vadd.f32 v10, v8  }
0x2c: {  	v0 =	vadd.f32 v3, v0;
	v2 =	vadd.f32 v20, v2;
	v3 =	vld [tilespmem:$0x130]  }
0x2d: {  	v62 =	vld [tilespmem:$0x160];
	v8 =	vadd.f32 v11, v8;
	v1 =	vadd.f32 v1, v60  }
0x2e: {  	v0 =	vadd.f32 v4, v0;
	v2 =	vadd.f32 v58, v2;
	v4 =	vld [tilespmem:$0x170]  }
0x2f: {  	v63 =	vld [tilespmem:$0x1A0];
	v8 =	vadd.f32 v12, v8;
	v1 =	vadd.f32 v59, v1  }
0x30: {  	v0 =	vadd.f32 v5, v0;
	v2 =	vadd.f32 v61, v2;
	v5 =	vld [tilespmem:$0x1B0]  }
0x31: {  	v8 =	vadd.f32 v13, v8;
	v1 =	vadd.f32 v3, v1;
	v3 =	vld [tilespmem:$0x1E0]  }
0x32: {  	v0 =	vadd.f32 v6, v0;
	v2 =	vadd.f32 v62, v2;
	v6 =	vld [tilespmem:$0x1F0]  }
0x33: {  	v8 =	vadd.f32 v14, v8;
	v1 =	vadd.f32 v4, v1  }
0x34: {  	v0 =	vadd.f32 v7, v0;
	v2 =	vadd.f32 v63, v2  }
0x35: {  	v4 =	vadd.f32 v15, v8;
	v1 =	vadd.f32 v5, v1  }
0x36: {  	[tilespmem:$0xA00] =	vst v0;
	v0 =	vadd.f32 v3, v2  }
0x37: {  	[tilespmem:$0xA10] =	vst v4;
	v1 =	vadd.f32 v6, v1  }
0x38: {  	[tilespmem:$0xA20] =	vst v0  }
0x39: {  	s31 =	simm.s32 $0x240;
	[tilespmem:$0xA30] =	vst v1  }
0x3a: {  	v0 =	vld [tilespmem:s31+$0xFFFFFFC0];
	_ =	sdelay $0x1  }
0x3b: {  	v1 =	vld [tilespmem:s31+$0xFFFFFFD0];
	_ =	sdelay $0x1  }
0x3c: {  	v3 =	vld [tilespmem:s31+$0xFFFFFFE0];
	_ =	sdelay $0x1  }
0x3d: {  	v6 =	vld [tilespmem:s31+$0xFFFFFFF0]  }
0x3e: {  	s4 =	simm.s32 $0xA00;
	v2 =	vld [tilespmem:s31+$0x0]  }
0x3f: {  	v7 =	vld.idx.msk [tilespmem:v0+s4+$0x0], $0xffff  }
0x40: {  	v0 =	vld [tilespmem:s31+$0x10]  }
0x41: {  	v5 =	vld.idx.msk [tilespmem:v1+s4+$0x0], $0xffff  }
0x42: {  	v1 =	vld [tilespmem:s31+$0x20]  }
0x43: {  	v4 =	vld.idx.msk [tilespmem:v3+s4+$0x0], $0xffff  }
0x44: {  	v8 =	vimm.f32 $0.0e+00;
	v3 =	vld [tilespmem:s31+$0x30]  }
0x45: {  	s5 =	simm.s32 $0x0;
	s6 =	simm.s32 $0x2C0;
	v6 =	vld.idx.msk [tilespmem:v6+s4+$0x0], $0xffff;
	v7 =	vadd.f32 v7, v8  }
.LBB2_1:
0x46: {  	v8 =	vld [tilespmem:s6+$0xFFFFFFC0]  }
0x47: {  	s5 =	sadd.s32 $0x8, s5;
	v5 =	vadd.f32 v5, v7;
	v2 =	vld.idx.msk [tilespmem:v2+s4+$0x0], $0xffff  }
0x48: {  	p0 =	slt.u32 s5, $0x78;
	v7 =	vld [tilespmem:s6+$0xFFFFFFD0]  }
0x49: {  	v4 =	vadd.f32 v4, v5;
	v0 =	vld.idx.msk [tilespmem:v0+s4+$0x0], $0xffff  }
0x4a: {  	v9 =	vld [tilespmem:s6+$0xFFFFFFE0]  }
0x4b: {  	v4 =	vadd.f32 v6, v4;
	v1 =	vld.idx.msk [tilespmem:v1+s4+$0x0], $0xffff  }
0x4c: {  	v6 =	vld [tilespmem:s6+$0xFFFFFFF0]  }
0x4d: {  	v4 =	vadd.f32 v2, v4;
	v3 =	vld.idx.msk [tilespmem:v3+s4+$0x0], $0xffff  }
0x4e: {  	v2 =	vld [tilespmem:s6+$0x0]  }
0x4f: {  	v8 =	vld.idx.msk [tilespmem:v8+s4+$0x0], $0xffff;
	v4 =	vadd.f32 v0, v4  }
0x50: {  	v0 =	vld [tilespmem:s6+$0x10]  }
.Ltmp0:
0x51: {  	v5 =	vld.idx.msk [tilespmem:v7+s4+$0x0], $0xffff;
	v7 =	vadd.f32 v1, v4;
	(pc) =	sbr.rel @p0 .LBB2_1-.Ltmp0, $4  }
0x52: {  	v1 =	vld [tilespmem:s6+$0x20]  }
0x53: {  	v4 =	vld.idx.msk [tilespmem:v9+s4+$0x0], $0xffff;
	v7 =	vadd.f32 v3, v7  }
0x54: {  	v3 =	vld [tilespmem:s6+$0x30]  }
0x55: {  	s6 =	sadd.s32 $0x80, s6;
	v7 =	vadd.f32 v8, v7;
	v6 =	vld.idx.msk [tilespmem:v6+s4+$0x0], $0xffff  }
0x56: {  	_ =	sdelay $0x2  }
0x57: {  	v5 =	vadd.f32 v5, v7  }
0x58: {  	v2 =	vld.idx.msk [tilespmem:v2+s4+$0x0], $0xffff  }
0x59: {  	v4 =	vadd.f32 v4, v5  }
0x5a: {  	v0 =	vld.idx.msk [tilespmem:v0+s4+$0x0], $0xffff  }
0x5b: {  	v4 =	vadd.f32 v6, v4  }
0x5c: {  	v1 =	vld.idx.msk [tilespmem:v1+s4+$0x0], $0xffff  }
0x5d: {  	v2 =	vadd.f32 v2, v4  }
0x5e: {  	v3 =	vld.idx.msk [tilespmem:v3+s4+$0x0], $0xffff  }
0x5f: {  	v0 =	vadd.f32 v0, v2;
	_ =	sdelay $0x1  }
0x60: {  	v0 =	vadd.f32 v1, v0;
	_ =	sdelay $0x1  }
0x61: {  	v0 =	vadd.f32 v3, v0  }
0x62: {  	s30 =	sshll.u32 s3, $0x4  }
0x63: {  	s5 =	simm.s32 $0xA80;
	s31 =	simm.s32 $0x1;
	s4 =	sadd.s32 s30, s2;
	[tilespmem:$0xA80] =	vst v0  }
0x64: {  	[spmem:s4] =	stream.linear.scatter [tilespmem:s5], [sflag:$0x1], $0x10, $0x38;
	[tilespmem:$0xC10] =	vst v63  }
0x65: {  	_ =	swait.ge [sflag:s31], $0x10  }
0x66: {  	[sflag:s31] =	ssyncset.done $0x0  }
0x67: {  	[sflag:s31] =	ssyncadd.s32 $0xFFFFFFF0  }
0x68: {  	p0 =	sne.s32 s3, $0x0;
	[bflag:$0x0] =	sbarrier.arrive $0xFFFF  }
0x69: {  	_ =	sfence.sel @p0 $0x180000  }
0x6a: {  	[bflag:$0x0] =	sbarrier.arrive @p0 $0xFFFF  }
0x6b: {  	_ =	strace @p0 $0x90000047  }
0x6c: {  	s3 =	simm.s32 @!p0 $0xB00;
	[bflag:$0x2] =	sbarrier.arrive @p0 $0xFFFF  }
0x6d: {  	[tilespmem:s3], [sflag:$0x1] =	stream.linear.gather @!p0 [spmem:s2], $0x100, $0x38;
	[tilespmem:$0xC10] =	vst v63  }
0x6e: {  	s2 =	simm.s32 @!p0 $0x1  }
0x6f: {  	_ =	swait.ge @!p0 [sflag:s2], $0x100  }
0x70: {  	[sflag:s2] =	ssyncset.done @!p0 $0x0  }
0x71: {  	[sflag:s2] =	ssyncadd.s32 @!p0 $0xFFFFFF00  }
0x72: {  	v0 =	vld @!p0 [tilespmem:$0xB00]  }
0x73: {  	v1 =	vld @!p0 [tilespmem:$0xB10];
	_ =	sdelay $0x1  }
0x74: {  	v2 =	vld @!p0 [tilespmem:$0xB20];
	_ =	sdelay $0x1  }
0x75: {  	v3 =	vld @!p0 [tilespmem:$0xB30]  }
0x76: {  	v0 =	vadd.f32 @!p0 v1, v0  }
0x77: {  	v1 =	vld @!p0 [tilespmem:$0xB40]  }
0x78: {  	v0 =	vadd.f32 @!p0 v2, v0  }
0x79: {  	v2 =	vld @!p0 [tilespmem:$0xB50]  }
0x7a: {  	v0 =	vadd.f32 @!p0 v3, v0  }
0x7b: {  	v3 =	vld @!p0 [tilespmem:$0xB60]  }
0x7c: {  	v0 =	vadd.f32 @!p0 v1, v0  }
0x7d: {  	v1 =	vld @!p0 [tilespmem:$0xB70]  }
0x7e: {  	v0 =	vadd.f32 @!p0 v2, v0  }
0x7f: {  	v2 =	vld @!p0 [tilespmem:$0xB80]  }
0x80: {  	v0 =	vadd.f32 @!p0 v3, v0  }
0x81: {  	v3 =	vld @!p0 [tilespmem:$0xB90]  }
0x82: {  	v0 =	vadd.f32 @!p0 v1, v0  }
0x83: {  	v1 =	vld @!p0 [tilespmem:$0xBA0]  }
0x84: {  	v0 =	vadd.f32 @!p0 v2, v0  }
0x85: {  	v2 =	vld @!p0 [tilespmem:$0xBB0]  }
0x86: {  	v0 =	vadd.f32 @!p0 v3, v0  }
0x87: {  	v3 =	vld @!p0 [tilespmem:$0xBC0]  }
0x88: {  	v0 =	vadd.f32 @!p0 v1, v0  }
0x89: {  	v1 =	vld @!p0 [tilespmem:$0xBD0]  }
0x8a: {  	v0 =	vadd.f32 @!p0 v2, v0  }
0x8b: {  	v2 =	vld @!p0 [tilespmem:$0xBE0]  }
0x8c: {  	v0 =	vadd.f32 @!p0 v3, v0  }
0x8d: {  	v3 =	vld @!p0 [tilespmem:$0xBF0]  }
0x8e: {  	v0 =	vadd.f32 @!p0 v1, v0;
	_ =	sdelay $0x1  }
0x8f: {  	v0 =	vadd.f32 @!p0 v2, v0;
	_ =	sdelay $0x1  }
0x90: {  	v0 =	vadd.f32 @!p0 v3, v0;
	_ =	sdelay $0x1  }
0x91: {  	(xrf2) =	vadd.scan.msk.f32 @!p0 $0xffff, v0;
	_ =	sdelay $0x9  }
0x92: {  	v0, _, _ =	vpop @!p0 (xrf2)  }
0x93: {  	(v2sf) =	vpush @!p0 v0, $0xF;
	_ =	sdelay $0xe  }
0x94: {  	s3 =	spop @!p0 (v2sf)  }
0x95: {  	s3 =	smul.f32 @!p0 $1.192092900e-07, s3;
	_ =	sdelay $0x1  }
0x96: {  	v0 =	vmov @!p0 s3  }
0x97: {  	s4 =	simm.s32 @!p0 $0xA80;
	s3 =	simm.s32 @!p0 $0x0;
	[tilespmem:$0xA80] =	vst @!p0 v0  }
0x98: {  	[hbm4b:s1+s3] =	stream.linear.scatter @!p0 [tilespmem:s4], [sflag:$0x1], $0x80, $0x38;
	[tilespmem:$0xC10] =	vst v63  }
0x99: {  	_ =	swait.ge @!p0 [sflag:s2], $0x80  }
0x9a: {  	[sflag:s2] =	ssyncset.done @!p0 $0x0  }
0x9b: {  	[sflag:s2] =	ssyncadd.s32 @!p0 $0xFFFFFF80  }
0x9c: {  	_ =	sfence.sel @!p0 $0x180000  }
0x9d: {  	[bflag:$0x0] =	sbarrier.arrive @!p0 $0xFFFF  }
0x9e: {  	_ =	strace @!p0 $0x90000047  }
0x9f: {  	s0 =	sadd.s32 @!p0 $0x100000, s0;
	[bflag:$0x2] =	sbarrier.arrive @!p0 $0xFFFF  }
0xa0: {  	[sflag:s0] =	ssyncadd.tile.s32 @!p0 $0x1;
	_ =	shalt  }
.Lfunc_end2:
_tile_overlayer_lowered:
.L_overlay_start_2:
0xa1: {  	(tag) =	ssettag $0x2  }
0xa2: {  	s0 =	rddreg [dreg:$0x0];
	s2 =	stileid.u32  }
0xa3: {  	s1 =	rddreg [dreg:$0x1];
	p0 =	sne.s32 s2, $0x0  }
0xa4: {  	s3 =	rddreg [dreg:$0x2];
	[bflag:$0x3] =	sbarrier.arrive $0xFFFF;
	s2 =	simm.s32 @!p0 $0x1C01  }
0xa5: {  	[timem:s3], [sflag:s2] =	dma.local @!p0 [hbm:s0], s1  }
0xa6: {  	s0 =	simm.s32 @!p0 $0x1  }
0xa7: {  	_ =	swait.ge @!p0 [sflag:s0], s1  }
0xa8: {  	s1 =	ssub.s32 @!p0 $0x0, s1;
	[sflag:s0] =	ssyncset.done @!p0 $0x0  }
0xa9: {  	[sflag:s0] =	ssyncadd.s32 @!p0 s1  }
0xaa: {  	[bflag:$0x3] =	sbarrier.arrive $0xFFFF  }
0xab: {  	_ =	shalt  }

</sc_bundles>
